<compile_context>
chip_gen: v7x
topology: tpu7x:2x2x1
jax: 0.10.2.dev20260603
libtpu: 0.0.44.dev20260713+nightly
codegen_flags: <defaults>
</compile_context>

<pallas_src>
import functools

import jax
import jax.numpy as jnp
from jax import lax
from jax.experimental import pallas as pl
from jax.experimental.pallas import tpu as pltpu
from jax.experimental.pallas import tpu_sc as plsc

_VOCAB = 100000
_BATCH = 16384
_SEQ = 200

_NC = 2
_NS = 16
_L = 16
_NW = _NC * _NS
_ROWS_PER_W = _BATCH // _NW
_CHUNK_ROWS = 32
_NCHUNK = _ROWS_PER_W // _CHUNK_ROWS
_NPAIR = _NCHUNK // 2
_CHUNK_TOK = _CHUNK_ROWS * _SEQ
_GROUPS_PER_CHUNK = _CHUNK_ROWS // _L
_UNROLL = 4
_STEPS = _SEQ // _UNROLL


def _body(tokens_hbm, emb_hbm, out_hbm, table_s, table_v, tok_a, tok_b,
          out_v, sem_t, sem_a, sem_b):
    wid = lax.axis_index("s") * _NC + lax.axis_index("c")
    row_base = wid * _ROWS_PER_W
    tok_base = row_base * _SEQ

    @pl.when(lax.axis_index("s") == 0)
    def _():
        pltpu.sync_copy(emb_hbm, table_s)

    plsc.subcore_barrier()
    table_cp = pltpu.make_async_copy(table_s, table_v, sem_t)
    table_cp.start()

    def _chunk_copy(c, buf, sem):
        off = pl.multiple_of(tok_base + c * _CHUNK_TOK, _CHUNK_TOK)
        return pltpu.make_async_copy(
            tokens_hbm.at[pl.ds(off, _CHUNK_TOK)], buf, sem)

    _chunk_copy(0, tok_a, sem_a).start()
    table_cp.wait()

    lane = lax.iota(jnp.int32, _L)
    ones = jnp.ones((_L,), jnp.int32)
    zeros = jnp.zeros((_L,), jnp.int32)
    fzero = jnp.zeros((_L,), jnp.float32)

    def _process_chunk(c, tok_buf):
        out_off = pl.multiple_of(c * _CHUNK_ROWS, _CHUNK_ROWS)
        for g in range(_GROUPS_PER_CHUNK):
            idx0 = lane * _SEQ + (g * _L * _SEQ)

            def step(t, carry, tok_buf=tok_buf):
                accs0, i0 = carry
                toks = [plsc.load_gather(tok_buf, [i0 + j])
                        for j in range(_UNROLL)]
                accs = tuple(
                    a + plsc.load_gather(table_v, [tk])
                    for a, tk in zip(accs0, toks))
                return (accs, i0 + _UNROLL)

            accs, _ = plsc.parallel_loop(
                0, _STEPS, unroll=2,
                carry=((fzero,) * _UNROLL, idx0))(step)
            total = accs[0]
            for a in accs[1:]:
                total = total + a
            res = jnp.where(total > 0.0, ones, zeros)
            out_v[pl.ds(out_off + g * _L, _L)] = res

    def pair(p, carry):
        c_even = p * 2
        _chunk_copy(c_even, tok_a, sem_a).wait()
        _chunk_copy(c_even + 1, tok_b, sem_b).start()
        _process_chunk(c_even, tok_a)
        _chunk_copy(c_even + 1, tok_b, sem_b).wait()

        @pl.when(p + 1 < _NPAIR)
        def _():
            _chunk_copy(c_even + 2, tok_a, sem_a).start()

        _process_chunk(c_even + 1, tok_b)
        return carry

    lax.fori_loop(0, _NPAIR, pair, 0)

    pltpu.sync_copy(out_v, out_hbm.at[pl.ds(row_base, _ROWS_PER_W)])


_emb_sum_sign = functools.partial(
    pl.kernel,
    out_type=jax.ShapeDtypeStruct((_BATCH,), jnp.int32),
    mesh=plsc.VectorSubcoreMesh(core_axis_name="c", subcore_axis_name="s"),
    compiler_params=pltpu.CompilerParams(
        needs_layout_passes=False, use_tc_tiling_on_sc=False),
    scratch_types=[
        pltpu.VMEM_SHARED((_VOCAB,), jnp.float32),
        pltpu.VMEM((_VOCAB,), jnp.float32),
        pltpu.VMEM((_CHUNK_TOK,), jnp.int32),
        pltpu.VMEM((_CHUNK_TOK,), jnp.int32),
        pltpu.VMEM((_ROWS_PER_W,), jnp.int32),
        pltpu.SemaphoreType.DMA,
        pltpu.SemaphoreType.DMA,
        pltpu.SemaphoreType.DMA,
    ],
)(_body)


def kernel(tokens, emb):
    flat = _emb_sum_sign(tokens.reshape(-1), emb.reshape(-1))
    return (flat > 0).reshape(_BATCH, 1)

# --- scband reference (transcript-rebuilt; emitter-appended) ---
"""Pipeline reference for scband-crypto-sentiment-model-49271864819960 (READ-ONLY COPY).

The authoritative reference and input builder live on the scoring server;
editing this copy changes nothing except your own understanding.
"""

import jax, jax.numpy as jnp
import numpy as np

VOCAB = 100000
BATCH = 16384
SEQ = 200

def setup_inputs(seed: int = 0) -> dict:
    key = jax.random.key(seed)
    k_tok, k_emb = jax.random.split(key)
    tokens = jax.random.randint(k_tok, (BATCH, SEQ), 0, VOCAB, dtype=jnp.int64 if jax.config.read('jax_enable_x64') else jnp.int32)
    emb = jax.random.normal(k_emb, (VOCAB, 1), dtype=jnp.float32) * 0.02
    return {"tokens": tokens, "emb": emb}

def reference(tokens, emb):
    # embedded = self.embeddings(tokens) -> [B, S, 1]
    embedded = jnp.take(emb, tokens, axis=0)
    # score = embedded.sum(dim=1) -> [B, 1]
    score = embedded.sum(axis=1)
    # return score > 0 -> [B, 1] bool
    return score > 0

if __name__ == "__main__":
    import jax
    _d = setup_inputs()
    print(jax.jit(kernel)(*tuple(_d.values())))

</pallas_src>

<mosaic_0001>
#map = affine_map<(d0, d1) -> (0)>
module attributes {stable_mosaic.version = 14 : i64} {
  func.func @_body(%arg0: i32, %arg1: i32, %arg2: memref<3276800xi32, #tpu.memory_space<hbm>>, %arg3: memref<100000xf32, #tpu.memory_space<hbm>>, %arg4: memref<16384xi32, #tpu.memory_space<hbm>>, %arg5: memref<100000xf32, #tpu.memory_space<vmem_shared>>, %arg6: memref<100000xf32, #tpu.memory_space<vmem>>, %arg7: memref<6400xi32, #tpu.memory_space<vmem>>, %arg8: memref<6400xi32, #tpu.memory_space<vmem>>, %arg9: memref<512xi32, #tpu.memory_space<vmem>>, %arg10: memref<!tpu.dma_semaphore, #tpu.memory_space<semaphore_mem>>, %arg11: memref<!tpu.dma_semaphore, #tpu.memory_space<semaphore_mem>>, %arg12: memref<!tpu.dma_semaphore, #tpu.memory_space<semaphore_mem>>) attributes {dimension_semantics = [#tpu.dimension_semantics<core_parallel>, #tpu.dimension_semantics<subcore_parallel>], iteration_bounds = array<i64: 2, 16>, scalar_prefetch = 0 : i64, scratch_operands = 8 : i64, tpu.core_type = #tpu.core_type<sc_vector_subcore>, window_params = [{transform_indices = #map}, {transform_indices = #map}, {transform_indices = #map}]} {
    %mul3A = arith.constant 2 : i32
    %mul3A_0 = arith.muli %arg1, %mul3A : i32
    %add3A = arith.addi %mul3A_0, %arg0 : i32
    %mul3A_1 = arith.constant 512 : i32
    %mul3A_2 = arith.muli %add3A, %mul3A_1 : i32
    %mul3A_3 = arith.constant 200 : i32
    %mul3A_4 = arith.muli %mul3A_2, %mul3A_3 : i32
    %eq3A = arith.constant 0 : i32
    %eq3A_5 = arith.cmpi eq, %arg1, %eq3A : i32
    %convert_element_type3A = arith.extui %eq3A_5 : i1 to i32
    %cond3A = arith.constant 0 : i32
    %cond3A_6 = arith.cmpi ne, %convert_element_type3A, %cond3A : i32
    scf.if %cond3A_6 {
      "tpu.region"() ({
        %run_scoped3A = tpu.sem_alloc : memref<!tpu.dma_semaphore, #tpu.memory_space<semaphore_mem>>
        tpu.enqueue_dma source(%arg3 : memref<100000xf32, #tpu.memory_space<hbm>>) target(%arg5 : memref<100000xf32, #tpu.memory_space<vmem_shared>>) target_semaphore(%run_scoped3A : memref<!tpu.dma_semaphore, #tpu.memory_space<semaphore_mem>>)
        tpu.wait_dma2 semaphore(%run_scoped3A : memref<!tpu.dma_semaphore, #tpu.memory_space<semaphore_mem>>) src(%arg3 : memref<100000xf32, #tpu.memory_space<hbm>>) dst(%arg5 : memref<100000xf32, #tpu.memory_space<vmem_shared>>)
        tpu.yield
      }) : () -> ()
    } else {
    }
    %barrier3A = arith.constant 0 : index
    tpu.barrier barrier_id(%barrier3A)
    tpu.enqueue_dma source(%arg5 : memref<100000xf32, #tpu.memory_space<vmem_shared>>) target(%arg6 : memref<100000xf32, #tpu.memory_space<vmem>>) target_semaphore(%arg10 : memref<!tpu.dma_semaphore, #tpu.memory_space<semaphore_mem>>)
    %add3A_7 = arith.constant 0 : i32
    %add3A_8 = arith.addi %mul3A_4, %add3A_7 : i32
    %multiple_of3A = tpu.assume_multiple %add3A_8, 6400 : i32
    %dma_start3A = tpu.memref_slice %arg2[%multiple_of3A] : memref<3276800xi32, #tpu.memory_space<hbm>> -> memref<6400xi32, #tpu.memory_space<hbm>>
    %dma_start3A_9 = tpu.memref_slice %arg2[%multiple_of3A] : memref<3276800xi32, #tpu.memory_space<hbm>> -> memref<6400xi32, #tpu.memory_space<hbm>>
    tpu.enqueue_dma source(%dma_start3A_9 : memref<6400xi32, #tpu.memory_space<hbm>>) target(%arg7 : memref<6400xi32, #tpu.memory_space<vmem>>) target_semaphore(%arg11 : memref<!tpu.dma_semaphore, #tpu.memory_space<semaphore_mem>>)
    tpu.wait_dma2 semaphore(%arg10 : memref<!tpu.dma_semaphore, #tpu.memory_space<semaphore_mem>>) src(%arg5 : memref<100000xf32, #tpu.memory_space<vmem_shared>>) dst(%arg6 : memref<100000xf32, #tpu.memory_space<vmem>>)
    %iota3A = tpu.iota {dimensions = array<i32: 0>} : vector<16xi32>
    %broadcast_in_dim3A = arith.constant 1 : i32
    %broadcast_in_dim3A_10 = vector.broadcast %broadcast_in_dim3A : i32 to vector<16xi32>
    %broadcast_in_dim3A_11 = arith.constant 0 : i32
    %broadcast_in_dim3A_12 = vector.broadcast %broadcast_in_dim3A_11 : i32 to vector<16xi32>
    %broadcast_in_dim3A_13 = arith.constant 0.000000e+00 : f32
    %broadcast_in_dim3A_14 = vector.broadcast %broadcast_in_dim3A_13 : f32 to vector<16xf32>
    %scan3A = arith.constant 0 : i32
    %scan3A_15 = arith.constant 0 : i32
    %scan3A_16 = arith.constant 8 : i32
    %scan3A_17 = arith.addi %scan3A_15, %scan3A_16 : i32
    %scan3A_18 = arith.constant 1 : i32
    scf.for %scan3A_20 = %scan3A_15 to %scan3A_17 step %scan3A_18  : i32 {
      %mul3A_21 = arith.constant 2 : i32
      %mul3A_22 = arith.muli %scan3A_20, %mul3A_21 : i32
      %mul3A_23 = arith.constant 6400 : i32
      %mul3A_24 = arith.muli %mul3A_22, %mul3A_23 : i32
      %add3A_25 = arith.addi %mul3A_4, %mul3A_24 : i32
      %multiple_of3A_26 = tpu.assume_multiple %add3A_25, 6400 : i32
      %dma_wait3A = tpu.memref_slice %arg2[%multiple_of3A_26] : memref<3276800xi32, #tpu.memory_space<hbm>> -> memref<6400xi32, #tpu.memory_space<hbm>>
      %dma_wait3A_27 = tpu.memref_slice %arg2[%multiple_of3A_26] : memref<3276800xi32, #tpu.memory_space<hbm>> -> memref<6400xi32, #tpu.memory_space<hbm>>
      tpu.wait_dma2 semaphore(%arg11 : memref<!tpu.dma_semaphore, #tpu.memory_space<semaphore_mem>>) src(%dma_wait3A_27 : memref<6400xi32, #tpu.memory_space<hbm>>) dst(%arg7 : memref<6400xi32, #tpu.memory_space<vmem>>)
      %add3A_28 = arith.constant 1 : i32
      %add3A_29 = arith.addi %mul3A_22, %add3A_28 : i32
      %mul3A_30 = arith.constant 6400 : i32
      %mul3A_31 = arith.muli %add3A_29, %mul3A_30 : i32
      %add3A_32 = arith.addi %mul3A_4, %mul3A_31 : i32
      %multiple_of3A_33 = tpu.assume_multiple %add3A_32, 6400 : i32
      %dma_start3A_34 = tpu.memref_slice %arg2[%multiple_of3A_33] : memref<3276800xi32, #tpu.memory_space<hbm>> -> memref<6400xi32, #tpu.memory_space<hbm>>
      %dma_start3A_35 = tpu.memref_slice %arg2[%multiple_of3A_33] : memref<3276800xi32, #tpu.memory_space<hbm>> -> memref<6400xi32, #tpu.memory_space<hbm>>
      tpu.enqueue_dma source(%dma_start3A_35 : memref<6400xi32, #tpu.memory_space<hbm>>) target(%arg8 : memref<6400xi32, #tpu.memory_space<vmem>>) target_semaphore(%arg12 : memref<!tpu.dma_semaphore, #tpu.memory_space<semaphore_mem>>)
      %mul3A_36 = arith.constant 32 : i32
      %mul3A_37 = arith.muli %mul3A_22, %mul3A_36 : i32
      %multiple_of3A_38 = tpu.assume_multiple %mul3A_37, 32 : i32
      %mul3A_39 = arith.constant 200 : i32
      %mul3A_40 = vector.broadcast %mul3A_39 : i32 to vector<16xi32>
      %mul3A_41 = arith.muli %iota3A, %mul3A_40 : vector<16xi32>
      %add3A_42 = arith.constant 0 : i32
      %add3A_43 = vector.broadcast %add3A_42 : i32 to vector<16xi32>
      %add3A_44 = arith.addi %mul3A_41, %add3A_43 : vector<16xi32>
      %parallel_loop3A = arith.constant 0 : i32
      %parallel_loop3A_45 = arith.constant 50 : i32
      %parallel_loop3A_46 = arith.constant 1 : i32
      %parallel_loop3A_47:5 = scf.for %parallel_loop3A_138 = %parallel_loop3A to %parallel_loop3A_45 step %parallel_loop3A_46 iter_args(%parallel_loop3A_139 = %broadcast_in_dim3A_14, %parallel_loop3A_140 = %broadcast_in_dim3A_14, %parallel_loop3A_141 = %broadcast_in_dim3A_14, %parallel_loop3A_142 = %broadcast_in_dim3A_14, %parallel_loop3A_143 = %add3A_44) -> (vector<16xf32>, vector<16xf32>, vector<16xf32>, vector<16xf32>, vector<16xi32>)  : i32 {
        %parallel_loop3A_144 = arith.constant 0 : i32
        %parallel_loop3A_145 = vector.broadcast %parallel_loop3A_144 : i32 to vector<16xi32>
        %parallel_loop3A_146 = arith.addi %parallel_loop3A_143, %parallel_loop3A_145 : vector<16xi32>
        %parallel_loop3A_147 = tpu.vector_load_idx %arg7[%parallel_loop3A_146] : memref<6400xi32, #tpu.memory_space<vmem>>[vector<16xi32>], vector<16xi32>,
        %parallel_loop3A_148 = arith.constant 1 : i32
        %parallel_loop3A_149 = vector.broadcast %parallel_loop3A_148 : i32 to vector<16xi32>
        %parallel_loop3A_150 = arith.addi %parallel_loop3A_143, %parallel_loop3A_149 : vector<16xi32>
        %parallel_loop3A_151 = tpu.vector_load_idx %arg7[%parallel_loop3A_150] : memref<6400xi32, #tpu.memory_space<vmem>>[vector<16xi32>], vector<16xi32>,
        %parallel_loop3A_152 = arith.constant 2 : i32
        %parallel_loop3A_153 = vector.broadcast %parallel_loop3A_152 : i32 to vector<16xi32>
        %parallel_loop3A_154 = arith.addi %parallel_loop3A_143, %parallel_loop3A_153 : vector<16xi32>
        %parallel_loop3A_155 = tpu.vector_load_idx %arg7[%parallel_loop3A_154] : memref<6400xi32, #tpu.memory_space<vmem>>[vector<16xi32>], vector<16xi32>,
        %parallel_loop3A_156 = arith.constant 3 : i32
        %parallel_loop3A_157 = vector.broadcast %parallel_loop3A_156 : i32 to vector<16xi32>
        %parallel_loop3A_158 = arith.addi %parallel_loop3A_143, %parallel_loop3A_157 : vector<16xi32>
        %parallel_loop3A_159 = tpu.vector_load_idx %arg7[%parallel_loop3A_158] : memref<6400xi32, #tpu.memory_space<vmem>>[vector<16xi32>], vector<16xi32>,
        %parallel_loop3A_160 = tpu.vector_load_idx %arg6[%parallel_loop3A_147] : memref<100000xf32, #tpu.memory_space<vmem>>[vector<16xi32>], vector<16xf32>,
        %parallel_loop3A_161 = arith.addf %parallel_loop3A_139, %parallel_loop3A_160 : vector<16xf32>
        %parallel_loop3A_162 = tpu.vector_load_idx %arg6[%parallel_loop3A_151] : memref<100000xf32, #tpu.memory_space<vmem>>[vector<16xi32>], vector<16xf32>,
        %parallel_loop3A_163 = arith.addf %parallel_loop3A_140, %parallel_loop3A_162 : vector<16xf32>
        %parallel_loop3A_164 = tpu.vector_load_idx %arg6[%parallel_loop3A_155] : memref<100000xf32, #tpu.memory_space<vmem>>[vector<16xi32>], vector<16xf32>,
        %parallel_loop3A_165 = arith.addf %parallel_loop3A_141, %parallel_loop3A_164 : vector<16xf32>
        %parallel_loop3A_166 = tpu.vector_load_idx %arg6[%parallel_loop3A_159] : memref<100000xf32, #tpu.memory_space<vmem>>[vector<16xi32>], vector<16xf32>,
        %parallel_loop3A_167 = arith.addf %parallel_loop3A_142, %parallel_loop3A_166 : vector<16xf32>
        %parallel_loop3A_168 = arith.constant 4 : i32
        %parallel_loop3A_169 = vector.broadcast %parallel_loop3A_168 : i32 to vector<16xi32>
        %parallel_loop3A_170 = arith.addi %parallel_loop3A_143, %parallel_loop3A_169 : vector<16xi32>
        scf.yield %parallel_loop3A_161, %parallel_loop3A_163, %parallel_loop3A_165, %parallel_loop3A_167, %parallel_loop3A_170 : vector<16xf32>, vector<16xf32>, vector<16xf32>, vector<16xf32>, vector<16xi32>
      } {sc.loop_unroll_factor = 2 : i64, sc.parallel_access}
      %add3A_48 = arith.addf %parallel_loop3A_47#0, %parallel_loop3A_47#1 : vector<16xf32>
      %add3A_49 = arith.addf %add3A_48, %parallel_loop3A_47#2 : vector<16xf32>
      %add3A_50 = arith.addf %add3A_49, %parallel_loop3A_47#3 : vector<16xf32>
      %gt3A = arith.constant 0.000000e+00 : f32
      %gt3A_51 = vector.broadcast %gt3A : f32 to vector<16xf32>
      %gt3A_52 = arith.cmpf ogt, %add3A_50, %gt3A_51 : vector<16xf32>
      %select_n3A = arith.select %gt3A_52, %broadcast_in_dim3A_10, %broadcast_in_dim3A_12 : vector<16xi1>, vector<16xi32>
      %add3A_53 = arith.constant 0 : i32
      %add3A_54 = arith.addi %multiple_of3A_38, %add3A_53 : i32
      %swap3A = arith.index_cast %add3A_54 : i32 to index
      %swap3A_55 = tpu.vector_load %arg9[%swap3A] {strides = array<i32>} : memref<512xi32, #tpu.memory_space<vmem>>, vector<16xi32>,
      tpu.vector_store %arg9[%swap3A], %select_n3A {strides = array<i32>} : memref<512xi32, #tpu.memory_space<vmem>>, vector<16xi32>,
      %mul3A_56 = arith.constant 200 : i32
      %mul3A_57 = vector.broadcast %mul3A_56 : i32 to vector<16xi32>
      %mul3A_58 = arith.muli %iota3A, %mul3A_57 : vector<16xi32>
      %add3A_59 = arith.constant 3200 : i32
      %add3A_60 = vector.broadcast %add3A_59 : i32 to vector<16xi32>
      %add3A_61 = arith.addi %mul3A_58, %add3A_60 : vector<16xi32>
      %parallel_loop3A_62 = arith.constant 0 : i32
      %parallel_loop3A_63 = arith.constant 50 : i32
      %parallel_loop3A_64 = arith.constant 1 : i32
      %parallel_loop3A_65:5 = scf.for %parallel_loop3A_138 = %parallel_loop3A_62 to %parallel_loop3A_63 step %parallel_loop3A_64 iter_args(%parallel_loop3A_139 = %broadcast_in_dim3A_14, %parallel_loop3A_140 = %broadcast_in_dim3A_14, %parallel_loop3A_141 = %broadcast_in_dim3A_14, %parallel_loop3A_142 = %broadcast_in_dim3A_14, %parallel_loop3A_143 = %add3A_61) -> (vector<16xf32>, vector<16xf32>, vector<16xf32>, vector<16xf32>, vector<16xi32>)  : i32 {
        %parallel_loop3A_144 = arith.constant 0 : i32
        %parallel_loop3A_145 = vector.broadcast %parallel_loop3A_144 : i32 to vector<16xi32>
        %parallel_loop3A_146 = arith.addi %parallel_loop3A_143, %parallel_loop3A_145 : vector<16xi32>
        %parallel_loop3A_147 = tpu.vector_load_idx %arg7[%parallel_loop3A_146] : memref<6400xi32, #tpu.memory_space<vmem>>[vector<16xi32>], vector<16xi32>,
        %parallel_loop3A_148 = arith.constant 1 : i32
        %parallel_loop3A_149 = vector.broadcast %parallel_loop3A_148 : i32 to vector<16xi32>
        %parallel_loop3A_150 = arith.addi %parallel_loop3A_143, %parallel_loop3A_149 : vector<16xi32>
        %parallel_loop3A_151 = tpu.vector_load_idx %arg7[%parallel_loop3A_150] : memref<6400xi32, #tpu.memory_space<vmem>>[vector<16xi32>], vector<16xi32>,
        %parallel_loop3A_152 = arith.constant 2 : i32
        %parallel_loop3A_153 = vector.broadcast %parallel_loop3A_152 : i32 to vector<16xi32>
        %parallel_loop3A_154 = arith.addi %parallel_loop3A_143, %parallel_loop3A_153 : vector<16xi32>
        %parallel_loop3A_155 = tpu.vector_load_idx %arg7[%parallel_loop3A_154] : memref<6400xi32, #tpu.memory_space<vmem>>[vector<16xi32>], vector<16xi32>,
        %parallel_loop3A_156 = arith.constant 3 : i32
        %parallel_loop3A_157 = vector.broadcast %parallel_loop3A_156 : i32 to vector<16xi32>
        %parallel_loop3A_158 = arith.addi %parallel_loop3A_143, %parallel_loop3A_157 : vector<16xi32>
        %parallel_loop3A_159 = tpu.vector_load_idx %arg7[%parallel_loop3A_158] : memref<6400xi32, #tpu.memory_space<vmem>>[vector<16xi32>], vector<16xi32>,
        %parallel_loop3A_160 = tpu.vector_load_idx %arg6[%parallel_loop3A_147] : memref<100000xf32, #tpu.memory_space<vmem>>[vector<16xi32>], vector<16xf32>,
        %parallel_loop3A_161 = arith.addf %parallel_loop3A_139, %parallel_loop3A_160 : vector<16xf32>
        %parallel_loop3A_162 = tpu.vector_load_idx %arg6[%parallel_loop3A_151] : memref<100000xf32, #tpu.memory_space<vmem>>[vector<16xi32>], vector<16xf32>,
        %parallel_loop3A_163 = arith.addf %parallel_loop3A_140, %parallel_loop3A_162 : vector<16xf32>
        %parallel_loop3A_164 = tpu.vector_load_idx %arg6[%parallel_loop3A_155] : memref<100000xf32, #tpu.memory_space<vmem>>[vector<16xi32>], vector<16xf32>,
        %parallel_loop3A_165 = arith.addf %parallel_loop3A_141, %parallel_loop3A_164 : vector<16xf32>
        %parallel_loop3A_166 = tpu.vector_load_idx %arg6[%parallel_loop3A_159] : memref<100000xf32, #tpu.memory_space<vmem>>[vector<16xi32>], vector<16xf32>,
        %parallel_loop3A_167 = arith.addf %parallel_loop3A_142, %parallel_loop3A_166 : vector<16xf32>
        %parallel_loop3A_168 = arith.constant 4 : i32
        %parallel_loop3A_169 = vector.broadcast %parallel_loop3A_168 : i32 to vector<16xi32>
        %parallel_loop3A_170 = arith.addi %parallel_loop3A_143, %parallel_loop3A_169 : vector<16xi32>
        scf.yield %parallel_loop3A_161, %parallel_loop3A_163, %parallel_loop3A_165, %parallel_loop3A_167, %parallel_loop3A_170 : vector<16xf32>, vector<16xf32>, vector<16xf32>, vector<16xf32>, vector<16xi32>
      } {sc.loop_unroll_factor = 2 : i64, sc.parallel_access}
      %add3A_66 = arith.addf %parallel_loop3A_65#0, %parallel_loop3A_65#1 : vector<16xf32>
      %add3A_67 = arith.addf %add3A_66, %parallel_loop3A_65#2 : vector<16xf32>
      %add3A_68 = arith.addf %add3A_67, %parallel_loop3A_65#3 : vector<16xf32>
      %gt3A_69 = arith.constant 0.000000e+00 : f32
      %gt3A_70 = vector.broadcast %gt3A_69 : f32 to vector<16xf32>
      %gt3A_71 = arith.cmpf ogt, %add3A_68, %gt3A_70 : vector<16xf32>
      %select_n3A_72 = arith.select %gt3A_71, %broadcast_in_dim3A_10, %broadcast_in_dim3A_12 : vector<16xi1>, vector<16xi32>
      %add3A_73 = arith.constant 16 : i32
      %add3A_74 = arith.addi %multiple_of3A_38, %add3A_73 : i32
      %swap3A_75 = arith.index_cast %add3A_74 : i32 to index
      %swap3A_76 = tpu.vector_load %arg9[%swap3A_75] {strides = array<i32>} : memref<512xi32, #tpu.memory_space<vmem>>, vector<16xi32>,
      tpu.vector_store %arg9[%swap3A_75], %select_n3A_72 {strides = array<i32>} : memref<512xi32, #tpu.memory_space<vmem>>, vector<16xi32>,
      %add3A_77 = arith.constant 1 : i32
      %add3A_78 = arith.addi %mul3A_22, %add3A_77 : i32
      %mul3A_79 = arith.constant 6400 : i32
      %mul3A_80 = arith.muli %add3A_78, %mul3A_79 : i32
      %add3A_81 = arith.addi %mul3A_4, %mul3A_80 : i32
      %multiple_of3A_82 = tpu.assume_multiple %add3A_81, 6400 : i32
      %dma_wait3A_83 = tpu.memref_slice %arg2[%multiple_of3A_82] : memref<3276800xi32, #tpu.memory_space<hbm>> -> memref<6400xi32, #tpu.memory_space<hbm>>
      %dma_wait3A_84 = tpu.memref_slice %arg2[%multiple_of3A_82] : memref<3276800xi32, #tpu.memory_space<hbm>> -> memref<6400xi32, #tpu.memory_space<hbm>>
      tpu.wait_dma2 semaphore(%arg12 : memref<!tpu.dma_semaphore, #tpu.memory_space<semaphore_mem>>) src(%dma_wait3A_84 : memref<6400xi32, #tpu.memory_space<hbm>>) dst(%arg8 : memref<6400xi32, #tpu.memory_space<vmem>>)
      %add3A_85 = arith.constant 1 : i32
      %add3A_86 = arith.addi %scan3A_20, %add3A_85 : i32
      %lt3A = arith.constant 8 : i32
      %lt3A_87 = arith.cmpi slt, %add3A_86, %lt3A : i32
      %convert_element_type3A_88 = arith.extui %lt3A_87 : i1 to i32
      %cond3A_89 = arith.constant 0 : i32
      %cond3A_90 = arith.cmpi ne, %convert_element_type3A_88, %cond3A_89 : i32
      scf.if %cond3A_90 {
        %add3A_138 = arith.constant 2 : i32
        %add3A_139 = arith.addi %mul3A_22, %add3A_138 : i32
        %mul3A_140 = arith.constant 6400 : i32
        %mul3A_141 = arith.muli %add3A_139, %mul3A_140 : i32
        %add3A_142 = arith.addi %mul3A_4, %mul3A_141 : i32
        %multiple_of3A_143 = tpu.assume_multiple %add3A_142, 6400 : i32
        %dma_start3A_144 = tpu.memref_slice %arg2[%multiple_of3A_143] : memref<3276800xi32, #tpu.memory_space<hbm>> -> memref<6400xi32, #tpu.memory_space<hbm>>
        %dma_start3A_145 = tpu.memref_slice %arg2[%multiple_of3A_143] : memref<3276800xi32, #tpu.memory_space<hbm>> -> memref<6400xi32, #tpu.memory_space<hbm>>
        tpu.enqueue_dma source(%dma_start3A_145 : memref<6400xi32, #tpu.memory_space<hbm>>) target(%arg7 : memref<6400xi32, #tpu.memory_space<vmem>>) target_semaphore(%arg11 : memref<!tpu.dma_semaphore, #tpu.memory_space<semaphore_mem>>)
      } else {
      }
      %add3A_91 = arith.constant 1 : i32
      %add3A_92 = arith.addi %mul3A_22, %add3A_91 : i32
      %mul3A_93 = arith.constant 32 : i32
      %mul3A_94 = arith.muli %add3A_92, %mul3A_93 : i32
      %multiple_of3A_95 = tpu.assume_multiple %mul3A_94, 32 : i32
      %mul3A_96 = arith.constant 200 : i32
      %mul3A_97 = vector.broadcast %mul3A_96 : i32 to vector<16xi32>
      %mul3A_98 = arith.muli %iota3A, %mul3A_97 : vector<16xi32>
      %add3A_99 = arith.constant 0 : i32
      %add3A_100 = vector.broadcast %add3A_99 : i32 to vector<16xi32>
      %add3A_101 = arith.addi %mul3A_98, %add3A_100 : vector<16xi32>
      %parallel_loop3A_102 = arith.constant 0 : i32
      %parallel_loop3A_103 = arith.constant 50 : i32
      %parallel_loop3A_104 = arith.constant 1 : i32
      %parallel_loop3A_105:5 = scf.for %parallel_loop3A_138 = %parallel_loop3A_102 to %parallel_loop3A_103 step %parallel_loop3A_104 iter_args(%parallel_loop3A_139 = %broadcast_in_dim3A_14, %parallel_loop3A_140 = %broadcast_in_dim3A_14, %parallel_loop3A_141 = %broadcast_in_dim3A_14, %parallel_loop3A_142 = %broadcast_in_dim3A_14, %parallel_loop3A_143 = %add3A_101) -> (vector<16xf32>, vector<16xf32>, vector<16xf32>, vector<16xf32>, vector<16xi32>)  : i32 {
        %parallel_loop3A_144 = arith.constant 0 : i32
        %parallel_loop3A_145 = vector.broadcast %parallel_loop3A_144 : i32 to vector<16xi32>
        %parallel_loop3A_146 = arith.addi %parallel_loop3A_143, %parallel_loop3A_145 : vector<16xi32>
        %parallel_loop3A_147 = tpu.vector_load_idx %arg8[%parallel_loop3A_146] : memref<6400xi32, #tpu.memory_space<vmem>>[vector<16xi32>], vector<16xi32>,
        %parallel_loop3A_148 = arith.constant 1 : i32
        %parallel_loop3A_149 = vector.broadcast %parallel_loop3A_148 : i32 to vector<16xi32>
        %parallel_loop3A_150 = arith.addi %parallel_loop3A_143, %parallel_loop3A_149 : vector<16xi32>
        %parallel_loop3A_151 = tpu.vector_load_idx %arg8[%parallel_loop3A_150] : memref<6400xi32, #tpu.memory_space<vmem>>[vector<16xi32>], vector<16xi32>,
        %parallel_loop3A_152 = arith.constant 2 : i32
        %parallel_loop3A_153 = vector.broadcast %parallel_loop3A_152 : i32 to vector<16xi32>
        %parallel_loop3A_154 = arith.addi %parallel_loop3A_143, %parallel_loop3A_153 : vector<16xi32>
        %parallel_loop3A_155 = tpu.vector_load_idx %arg8[%parallel_loop3A_154] : memref<6400xi32, #tpu.memory_space<vmem>>[vector<16xi32>], vector<16xi32>,
        %parallel_loop3A_156 = arith.constant 3 : i32
        %parallel_loop3A_157 = vector.broadcast %parallel_loop3A_156 : i32 to vector<16xi32>
        %parallel_loop3A_158 = arith.addi %parallel_loop3A_143, %parallel_loop3A_157 : vector<16xi32>
        %parallel_loop3A_159 = tpu.vector_load_idx %arg8[%parallel_loop3A_158] : memref<6400xi32, #tpu.memory_space<vmem>>[vector<16xi32>], vector<16xi32>,
        %parallel_loop3A_160 = tpu.vector_load_idx %arg6[%parallel_loop3A_147] : memref<100000xf32, #tpu.memory_space<vmem>>[vector<16xi32>], vector<16xf32>,
        %parallel_loop3A_161 = arith.addf %parallel_loop3A_139, %parallel_loop3A_160 : vector<16xf32>
        %parallel_loop3A_162 = tpu.vector_load_idx %arg6[%parallel_loop3A_151] : memref<100000xf32, #tpu.memory_space<vmem>>[vector<16xi32>], vector<16xf32>,
        %parallel_loop3A_163 = arith.addf %parallel_loop3A_140, %parallel_loop3A_162 : vector<16xf32>
        %parallel_loop3A_164 = tpu.vector_load_idx %arg6[%parallel_loop3A_155] : memref<100000xf32, #tpu.memory_space<vmem>>[vector<16xi32>], vector<16xf32>,
        %parallel_loop3A_165 = arith.addf %parallel_loop3A_141, %parallel_loop3A_164 : vector<16xf32>
        %parallel_loop3A_166 = tpu.vector_load_idx %arg6[%parallel_loop3A_159] : memref<100000xf32, #tpu.memory_space<vmem>>[vector<16xi32>], vector<16xf32>,
        %parallel_loop3A_167 = arith.addf %parallel_loop3A_142, %parallel_loop3A_166 : vector<16xf32>
        %parallel_loop3A_168 = arith.constant 4 : i32
        %parallel_loop3A_169 = vector.broadcast %parallel_loop3A_168 : i32 to vector<16xi32>
        %parallel_loop3A_170 = arith.addi %parallel_loop3A_143, %parallel_loop3A_169 : vector<16xi32>
        scf.yield %parallel_loop3A_161, %parallel_loop3A_163, %parallel_loop3A_165, %parallel_loop3A_167, %parallel_loop3A_170 : vector<16xf32>, vector<16xf32>, vector<16xf32>, vector<16xf32>, vector<16xi32>
      } {sc.loop_unroll_factor = 2 : i64, sc.parallel_access}
      %add3A_106 = arith.addf %parallel_loop3A_105#0, %parallel_loop3A_105#1 : vector<16xf32>
      %add3A_107 = arith.addf %add3A_106, %parallel_loop3A_105#2 : vector<16xf32>
      %add3A_108 = arith.addf %add3A_107, %parallel_loop3A_105#3 : vector<16xf32>
      %gt3A_109 = arith.constant 0.000000e+00 : f32
      %gt3A_110 = vector.broadcast %gt3A_109 : f32 to vector<16xf32>
      %gt3A_111 = arith.cmpf ogt, %add3A_108, %gt3A_110 : vector<16xf32>
      %select_n3A_112 = arith.select %gt3A_111, %broadcast_in_dim3A_10, %broadcast_in_dim3A_12 : vector<16xi1>, vector<16xi32>
      %add3A_113 = arith.constant 0 : i32
      %add3A_114 = arith.addi %multiple_of3A_95, %add3A_113 : i32
      %swap3A_115 = arith.index_cast %add3A_114 : i32 to index
      %swap3A_116 = tpu.vector_load %arg9[%swap3A_115] {strides = array<i32>} : memref<512xi32, #tpu.memory_space<vmem>>, vector<16xi32>,
      tpu.vector_store %arg9[%swap3A_115], %select_n3A_112 {strides = array<i32>} : memref<512xi32, #tpu.memory_space<vmem>>, vector<16xi32>,
      %mul3A_117 = arith.constant 200 : i32
      %mul3A_118 = vector.broadcast %mul3A_117 : i32 to vector<16xi32>
      %mul3A_119 = arith.muli %iota3A, %mul3A_118 : vector<16xi32>
      %add3A_120 = arith.constant 3200 : i32
      %add3A_121 = vector.broadcast %add3A_120 : i32 to vector<16xi32>
      %add3A_122 = arith.addi %mul3A_119, %add3A_121 : vector<16xi32>
      %parallel_loop3A_123 = arith.constant 0 : i32
      %parallel_loop3A_124 = arith.constant 50 : i32
      %parallel_loop3A_125 = arith.constant 1 : i32
      %parallel_loop3A_126:5 = scf.for %parallel_loop3A_138 = %parallel_loop3A_123 to %parallel_loop3A_124 step %parallel_loop3A_125 iter_args(%parallel_loop3A_139 = %broadcast_in_dim3A_14, %parallel_loop3A_140 = %broadcast_in_dim3A_14, %parallel_loop3A_141 = %broadcast_in_dim3A_14, %parallel_loop3A_142 = %broadcast_in_dim3A_14, %parallel_loop3A_143 = %add3A_122) -> (vector<16xf32>, vector<16xf32>, vector<16xf32>, vector<16xf32>, vector<16xi32>)  : i32 {
        %parallel_loop3A_144 = arith.constant 0 : i32
        %parallel_loop3A_145 = vector.broadcast %parallel_loop3A_144 : i32 to vector<16xi32>
        %parallel_loop3A_146 = arith.addi %parallel_loop3A_143, %parallel_loop3A_145 : vector<16xi32>
        %parallel_loop3A_147 = tpu.vector_load_idx %arg8[%parallel_loop3A_146] : memref<6400xi32, #tpu.memory_space<vmem>>[vector<16xi32>], vector<16xi32>,
        %parallel_loop3A_148 = arith.constant 1 : i32
        %parallel_loop3A_149 = vector.broadcast %parallel_loop3A_148 : i32 to vector<16xi32>
        %parallel_loop3A_150 = arith.addi %parallel_loop3A_143, %parallel_loop3A_149 : vector<16xi32>
        %parallel_loop3A_151 = tpu.vector_load_idx %arg8[%parallel_loop3A_150] : memref<6400xi32, #tpu.memory_space<vmem>>[vector<16xi32>], vector<16xi32>,
        %parallel_loop3A_152 = arith.constant 2 : i32
        %parallel_loop3A_153 = vector.broadcast %parallel_loop3A_152 : i32 to vector<16xi32>
        %parallel_loop3A_154 = arith.addi %parallel_loop3A_143, %parallel_loop3A_153 : vector<16xi32>
        %parallel_loop3A_155 = tpu.vector_load_idx %arg8[%parallel_loop3A_154] : memref<6400xi32, #tpu.memory_space<vmem>>[vector<16xi32>], vector<16xi32>,
        %parallel_loop3A_156 = arith.constant 3 : i32
        %parallel_loop3A_157 = vector.broadcast %parallel_loop3A_156 : i32 to vector<16xi32>
        %parallel_loop3A_158 = arith.addi %parallel_loop3A_143, %parallel_loop3A_157 : vector<16xi32>
        %parallel_loop3A_159 = tpu.vector_load_idx %arg8[%parallel_loop3A_158] : memref<6400xi32, #tpu.memory_space<vmem>>[vector<16xi32>], vector<16xi32>,
        %parallel_loop3A_160 = tpu.vector_load_idx %arg6[%parallel_loop3A_147] : memref<100000xf32, #tpu.memory_space<vmem>>[vector<16xi32>], vector<16xf32>,
        %parallel_loop3A_161 = arith.addf %parallel_loop3A_139, %parallel_loop3A_160 : vector<16xf32>
        %parallel_loop3A_162 = tpu.vector_load_idx %arg6[%parallel_loop3A_151] : memref<100000xf32, #tpu.memory_space<vmem>>[vector<16xi32>], vector<16xf32>,
        %parallel_loop3A_163 = arith.addf %parallel_loop3A_140, %parallel_loop3A_162 : vector<16xf32>
        %parallel_loop3A_164 = tpu.vector_load_idx %arg6[%parallel_loop3A_155] : memref<100000xf32, #tpu.memory_space<vmem>>[vector<16xi32>], vector<16xf32>,
        %parallel_loop3A_165 = arith.addf %parallel_loop3A_141, %parallel_loop3A_164 : vector<16xf32>
        %parallel_loop3A_166 = tpu.vector_load_idx %arg6[%parallel_loop3A_159] : memref<100000xf32, #tpu.memory_space<vmem>>[vector<16xi32>], vector<16xf32>,
        %parallel_loop3A_167 = arith.addf %parallel_loop3A_142, %parallel_loop3A_166 : vector<16xf32>
        %parallel_loop3A_168 = arith.constant 4 : i32
        %parallel_loop3A_169 = vector.broadcast %parallel_loop3A_168 : i32 to vector<16xi32>
        %parallel_loop3A_170 = arith.addi %parallel_loop3A_143, %parallel_loop3A_169 : vector<16xi32>
        scf.yield %parallel_loop3A_161, %parallel_loop3A_163, %parallel_loop3A_165, %parallel_loop3A_167, %parallel_loop3A_170 : vector<16xf32>, vector<16xf32>, vector<16xf32>, vector<16xf32>, vector<16xi32>
      } {sc.loop_unroll_factor = 2 : i64, sc.parallel_access}
      %add3A_127 = arith.addf %parallel_loop3A_126#0, %parallel_loop3A_126#1 : vector<16xf32>
      %add3A_128 = arith.addf %add3A_127, %parallel_loop3A_126#2 : vector<16xf32>
      %add3A_129 = arith.addf %add3A_128, %parallel_loop3A_126#3 : vector<16xf32>
      %gt3A_130 = arith.constant 0.000000e+00 : f32
      %gt3A_131 = vector.broadcast %gt3A_130 : f32 to vector<16xf32>
      %gt3A_132 = arith.cmpf ogt, %add3A_129, %gt3A_131 : vector<16xf32>
      %select_n3A_133 = arith.select %gt3A_132, %broadcast_in_dim3A_10, %broadcast_in_dim3A_12 : vector<16xi1>, vector<16xi32>
      %add3A_134 = arith.constant 16 : i32
      %add3A_135 = arith.addi %multiple_of3A_95, %add3A_134 : i32
      %swap3A_136 = arith.index_cast %add3A_135 : i32 to index
      %swap3A_137 = tpu.vector_load %arg9[%swap3A_136] {strides = array<i32>} : memref<512xi32, #tpu.memory_space<vmem>>, vector<16xi32>,
      tpu.vector_store %arg9[%swap3A_136], %select_n3A_133 {strides = array<i32>} : memref<512xi32, #tpu.memory_space<vmem>>, vector<16xi32>,
    }
    %scan3A_19 = arith.constant 8 : i32
    "tpu.region"() ({
      %run_scoped3A = tpu.sem_alloc : memref<!tpu.dma_semaphore, #tpu.memory_space<semaphore_mem>>
      %dma_start3A_20 = tpu.memref_slice %arg4[%mul3A_2] : memref<16384xi32, #tpu.memory_space<hbm>> -> memref<512xi32, #tpu.memory_space<hbm>>
      %dma_start3A_21 = tpu.memref_slice %arg4[%mul3A_2] : memref<16384xi32, #tpu.memory_space<hbm>> -> memref<512xi32, #tpu.memory_space<hbm>>
      tpu.enqueue_dma source(%arg9 : memref<512xi32, #tpu.memory_space<vmem>>) target(%dma_start3A_21 : memref<512xi32, #tpu.memory_space<hbm>>) target_semaphore(%run_scoped3A : memref<!tpu.dma_semaphore, #tpu.memory_space<semaphore_mem>>)
      %dma_wait3A = tpu.memref_slice %arg4[%mul3A_2] : memref<16384xi32, #tpu.memory_space<hbm>> -> memref<512xi32, #tpu.memory_space<hbm>>
      %dma_wait3A_22 = tpu.memref_slice %arg4[%mul3A_2] : memref<16384xi32, #tpu.memory_space<hbm>> -> memref<512xi32, #tpu.memory_space<hbm>>
      tpu.wait_dma2 semaphore(%run_scoped3A : memref<!tpu.dma_semaphore, #tpu.memory_space<semaphore_mem>>) src(%arg9 : memref<512xi32, #tpu.memory_space<vmem>>) dst(%dma_wait3A_22 : memref<512xi32, #tpu.memory_space<hbm>>)
      tpu.yield
    }) : () -> ()
    return
  }
}

</mosaic_0001>

<sc_bundles>
// kernel: kernel.3.cloned.1.call-start
scs
__scs_entry_jumppad:
0x0: {  	(pc) =	sbr.rel $0x88, $3  }
0x1: {  	(tag) =	ssettag $0x0;
	lr =	simm.s32 $0x1  }
0x2: {  	[smem:$0x3F9F] =	sst lr;
	_ =	strace $0xD0000000  }
0x3: {  	_ = 	snop  }
0x4: {  	_ = 	snop  }
0x5: {  	_ = 	snop  }
0x6: {  	_ = 	snop  }
0x7: {  	_ = 	snop  }
__scs_overlays_trampoline_lowered:
0x8: {  	[smem:$0x3FAE] =	sst s0  }
0x9: {  	[smem:$0x3FAF] =	sst s1  }
0xa: {  	[smem:$0x3FB0] =	sst s2  }
0xb: {  	[smem:$0x3FB1] =	sst s3  }
0xc: {  	[smem:$0x3FB2] =	sst s4  }
0xd: {  	[smem:$0x3FB3] =	sst s5  }
0xe: {  	[smem:$0x3FB4] =	sst s6  }
0xf: {  	[smem:$0x3FB5] =	sst s7  }
0x10: {  	[smem:$0x3FB6] =	sst s8  }
0x11: {  	[smem:$0x3FB7] =	sst s9;
	s0 =	simm.s32 @!p0 $0x0  }
0x12: {  	s1 =	sld [smem:$0x3F9D];
	s0 =	simm.s32 @p0 $0x1  }
0x13: {  	[smem:$0x3FB8] =	sst s0;
	s0 =	simm.s32 @!p1 $0x0  }
0x14: {  	s2 =	sld [smem:$0x3F9C];
	s0 =	simm.s32 @p1 $0x1  }
0x15: {  	[smem:$0x3FB9] =	sst s0;
	s0 =	simm.s32 @!p2 $0x0  }
0x16: {  	s3 =	sld [smem:$0x3FDB];
	s0 =	simm.s32 @p2 $0x1  }
0x17: {  	s4 =	simm.s32 $0x1BF5;
	[smem:$0x3FBB] =	sst s0  }
0x18: {  	s0 =	sld [smem:$0x3F9E];
	_ =	swait.ge [sflag:s4], $0x0  }
0x19: {  	s7 =	sld [smem:$0x3F9F]  }
0x1a: {  	s8 =	sadd.s32 $0xFFFFE003, lr  }
0x1b: {  	s9 =	sadd.s32 $0xFFFFFEF7, lr;
	s5 =	simm.s32 $0xFFFFFFFF;
	p2 =	slt.u32 s8, $0xFFFFF086  }
0x1c: {  	p1 =	slt.u32 s9, $0xF7A;
	s5 =	simm.s32 @!p2 $0x0  }
0x1d: {  	s5 =	simm.s32 @p1 $0x1;
	p0 =	seq.s32 s7, s2  }
0x1e: {  	s7 =	smul.u32 @!p0 $0xF7A, s2;
	p2 =	seq.s32 @!p0 s5, $0x0  }
0x1f: {  	s9 =	smul.u32 $0xF7A, s1;
	s8 =	simm.s32 @!p0 $0x1BF5;
	p2 =	por !p2, p0  }
0x20: {  	[sflag:s8] =	ssyncset.s32 @!p0 $0xFFFFF086;
	s6 =	sadd.s32 @!p0 s3, s7;
	s7 =	simm.s32 @!p0 $0x108  }
0x21: {  	s3 =	sadd.s32 s3, s9;
	s6 =	sadd.s32 @!p0 $0x88, s6;
	s7 =	simm.s32 @p2 $0x1082  }
0x22: {  	[simem:s7], [sflag:s8] =	dma.local @!p0 [hbm:s6], $0xF7A  }
0x23: {  	s9 =	sor.u32 $0xD0000000, s2;
	s6 =	simm.s32 $0x108;
	_ =	swait.ge @!p0 [sflag:s8], $0x0  }
0x24: {  	s3 =	sadd.s32 $0x88, s3;
	s6 =	simm.s32 @!p1 $0x1082;
	[sflag:s4] =	ssyncset.s32 $0xFFFFF086  }
0x25: {  	[simem:s6], [sflag:s4] =	dma.local [hbm:s3], $0xF7A  }
0x26: {  	[smem:$0x3F9F] =	sst s1;
	(tag) =	ssettag s2;
	_ =	strace s9  }
0x27: {  	s1 =	sld [smem:$0x3FAF]  }
0x28: {  	s2 =	sld [smem:$0x3FB0]  }
0x29: {  	s4 =	sld [smem:$0x3FB2]  }
0x2a: {  	p0 =	seq.s32 s5, $0x0;
	s5 =	sld [smem:$0x3FB3]  }
0x2b: {  	s6 =	sld [smem:$0x3FB4]  }
0x2c: {  	s7 =	sld [smem:$0x3FB5]  }
0x2d: {  	s3 =	simm.s32 $0x108;
	s8 =	sld [smem:$0x3FB6]  }
0x2e: {  	s3 =	simm.s32 @!p0 $0x1082;
	s9 =	sld [smem:$0x3FB7]  }
0x2f: {  	lr =	sadd.s32 s0, s3;
	s0 =	sld [smem:$0x3FAE]  }
0x30: {  	s3 =	sld [smem:$0x3FB1]  }
0x31: {  	[smem:$0x3FBA] =	sst s10  }
0x32: {  	s10 =	sld [smem:$0x3FB8];
	_ =	sdelay $0x3  }
0x33: {  	p0 =	seq.s32 s10, $0x1;
	s10 =	sld [smem:$0x3FBA];
	_ =	sdelay $0x3  }
0x34: {  	[smem:$0x3FBA] =	sst s10  }
0x35: {  	s10 =	sld [smem:$0x3FB9];
	_ =	sdelay $0x3  }
0x36: {  	p1 =	seq.s32 s10, $0x1;
	s10 =	sld [smem:$0x3FBA];
	_ =	sdelay $0x3  }
0x37: {  	[smem:$0x3FBA] =	sst s10  }
0x38: {  	s10 =	sld [smem:$0x3FBB]  }
0x39: {  	_ = 	snop;
	(pc) =	sbr.ind lr, $3  }
0x3a: {  	_ = 	snop  }
0x3b: {  	_ = 	snop  }
0x3c: {  	p2 =	seq.s32 s10, $0x1;
	s10 =	sld [smem:$0x3FBA]  }
0x3d: {  	_ =	shalt  }
0x3e: {  	_ =	shalt  }
0x3f: {  	_ =	shalt  }
0x40: {  	_ =	shalt  }
0x41: {  	_ =	shalt  }
0x42: {  	_ =	shalt  }
0x43: {  	_ =	shalt  }
0x44: {  	_ =	shalt  }
0x45: {  	_ =	shalt  }
0x46: {  	_ =	shalt  }
0x47: {  	_ =	shalt  }
0x48: {  	_ =	shalt  }
0x49: {  	_ =	shalt  }
0x4a: {  	_ =	shalt  }
0x4b: {  	_ =	shalt  }
0x4c: {  	_ =	shalt  }
0x4d: {  	_ =	shalt  }
0x4e: {  	_ =	shalt  }
0x4f: {  	_ =	shalt  }
0x50: {  	_ =	shalt  }
0x51: {  	_ =	shalt  }
0x52: {  	_ =	shalt  }
0x53: {  	_ =	shalt  }
0x54: {  	_ =	shalt  }
0x55: {  	_ =	shalt  }
0x56: {  	_ =	shalt  }
0x57: {  	_ =	shalt  }
0x58: {  	_ =	shalt  }
0x59: {  	_ =	shalt  }
0x5a: {  	_ =	shalt  }
0x5b: {  	_ =	shalt  }
0x5c: {  	_ =	shalt  }
0x5d: {  	_ =	shalt  }
0x5e: {  	_ =	shalt  }
0x5f: {  	_ =	shalt  }
0x60: {  	_ =	shalt  }
0x61: {  	_ =	shalt  }
0x62: {  	_ =	shalt  }
0x63: {  	_ =	shalt  }
0x64: {  	_ =	shalt  }
0x65: {  	_ =	shalt  }
0x66: {  	_ =	shalt  }
0x67: {  	_ =	shalt  }
0x68: {  	_ =	shalt  }
0x69: {  	_ =	shalt  }
0x6a: {  	_ =	shalt  }
0x6b: {  	_ =	shalt  }
0x6c: {  	_ =	shalt  }
0x6d: {  	_ =	shalt  }
0x6e: {  	_ =	shalt  }
0x6f: {  	_ =	shalt  }
0x70: {  	_ =	shalt  }
0x71: {  	_ =	shalt  }
0x72: {  	_ =	shalt  }
0x73: {  	_ =	shalt  }
0x74: {  	_ =	shalt  }
0x75: {  	_ =	shalt  }
0x76: {  	_ =	shalt  }
0x77: {  	_ =	shalt  }
0x78: {  	_ =	shalt  }
0x79: {  	_ =	shalt  }
0x7a: {  	_ =	shalt  }
0x7b: {  	_ =	shalt  }
0x7c: {  	_ =	shalt  }
0x7d: {  	_ =	shalt  }
0x7e: {  	_ =	shalt  }
0x7f: {  	_ =	shalt  }
0x80: {  	_ =	shalt  }
0x81: {  	_ =	shalt  }
0x82: {  	_ =	shalt  }
0x83: {  	_ =	shalt  }
0x84: {  	_ =	shalt  }
0x85: {  	_ =	shalt  }
0x86: {  	_ =	shalt  }
0x87: {  	_ =	shalt  }
.Lfunc_end0:
.L_simem_size_0:
called_computation_lowered:
.L_overlay_start_0:
0x88: {  	s2 =	sld [smem:$0x3FD9]  }
0x89: {  	s3 =	sld [smem:$0x3FFE];
	_ =	sdelay $0x1  }
0x8a: {  	s1 =	srdreg.scid  }
0x8b: {  	s0 =	sand.u32 $0x1, s1  }
0x8c: {  	s17 =	sshll.u32 s0, $0xA;
	s2 =	sadd.s32 s3, s2  }
0x8d: {  	s2 =	sadd.s32 s2, s17  }
0x8e: {  	[smem:$0x3FC6] =	sst s2  }
0x8f: {  	_ = 	snop  }
0x90: {  	s2 =	sld [smem:$0x3FD0];
	(tm) =	ssettm $0x1  }
0x91: {  	s18 =	sld [smem:$0x3FFB];
	_ =	sdelay $0x3  }
0x92: {  	_ =	strace s18  }
0x93: {  	s3 =	sld [smem:$0x3FFC];
	_ =	sdelay $0x3  }
0x94: {  	_ =	strace s3  }
0x95: {  	s3 =	sld [smem:$0x3FFD];
	_ =	sdelay $0x3  }
0x96: {  	_ =	strace s3  }
0x97: {  	_ =	strace $0x8FFFFFFF  }
0x98: {  	s19 =	sld [smem:$0x3FDB];
	_ =	sdelay $0x1  }
0x99: {  	s4 =	simm.s32 $_scs_section_size  }
0x9a: {  	s5 =	simm.s32 $_size__tile_overlayer_lowered;
	s6 =	simm.s32 $_tile_overlayer_lowered  }
0x9b: {  	s22 =	simm.s32 $0x1BFF;
	s21 =	sshll.u32 s6, $0x1;
	s3 =	sadd.s32 s4, s19  }
0x9c: {  	s7 =	simm.s32 $0x0;
	s20 =	sshll.u32 s5, $0x1;
	s5 =	sadd.s32 s21, s3  }
0x9d: {  	[timem:s7], [sflag:s22] =	dma.local [hbm:s5], s20  }
0x9e: {  	_ =	swait.ge [sflag:s22], s20  }
0x9f: {  	s4 =	ssub.s32 $0x0, s20;
	[sflag:s22] =	ssyncset.done $0x0  }
0xa0: {  	[sflag:s22] =	ssyncadd.s32 s4;
	_ =	sdelay $0x1  }
0xa1: {  	s23 =	simm.s32 $0x1B8B  }
0xa2: {  	_ =	swait.ge [sflag:s23], $0x1  }
0xa3: {  	[sflag:s23] =	ssyncset.done $0x0  }
0xa4: {  	s25 =	simm.s32 $0x1B8E;
	s24 =	sld [smem:$0x3FFE];
	[sflag:s23] =	ssyncadd.s32 $0xFFFFFFFF  }
0xa5: {  	s26 =	simm.s32 $execute0_lowered;
	[smem:$0x3FD2] =	sst s25  }
0xa6: {  	s5 =	sshll.u32 s26, $0x1;
	_ =	strace $0x80000046;
	[dreg:$0x1] =	wrdreg $0xFFFFFFFF  }
0xa7: {  	s28 =	simm.s32 $_size_execute0_lowered;
	s3 =	sadd.s32 s3, s5;
	[dreg:$0x0] =	wrdreg $0x0  }
0xa8: {  	s5 =	sshll.u32 s28, $0x1;
	[dreg:$0x2] =	wrdreg s3  }
0xa9: {  	[dreg:$0x3] =	wrdreg s5  }
0xaa: {  	[dreg:$0x4] =	wrdreg $0xC0  }
0xab: {  	_ =	task [dreg:s7], $0x5FFFF  }
0xac: {  	[dreg:$0x1] =	wrdreg $0xFFFFFFFF  }
0xad: {  	[dreg:$0x0] =	wrdreg $0x60  }
0xae: {  	[dreg:$0x2] =	wrdreg s24  }
0xaf: {  	[dreg:$0x3] =	wrdreg s2  }
0xb0: {  	[dreg:$0x4] =	wrdreg $0x0  }
0xb1: {  	[dreg:$0x5] =	wrdreg $0x9  }
0xb2: {  	_ =	task.clear_ibuf [dreg:s7], $0x6FFFF;
	_ =	strace $0x90000046  }
0xb3: {  	s29 =	simm.s32 $0x9;
	_ =	strace $0x80000048  }
0xb4: {  	_ =	swait.ge [sflag:s29], $0x1  }
0xb5: {  	[sflag:s29] =	ssyncadd.s32 $0xFFFFFFFF  }
0xb6: {  	_ =	strace $0x90000048  }
0xb7: {  	_ =	sfence  }
0xb8: {  	s30 =	sld [smem:$0x0];
	_ =	sdelay $0x2  }
0xb9: {  	s31 =	sshll.u32 s1, $0xD;
	s1 =	sshrl.u32 s1, $0x2  }
0xba: {  	s3 =	sand.u32 $0x4000, s31;
	s1 =	sadd.s32 s1, s30  }
0xbb: {  	s0 =	sor.u32 s3, s0;
	s1 =	sshll.u32 s1, $0x11  }
0xbc: {  	s0 =	sor.u32 s1, s0  }
0xbd: {  	s0 =	sadd.s32 $0x8F2B, s0  }
0xbe: {  	[sflag:s0] =	ssyncadd.remote.s32 $0x1  }
0xbf: {  	_ =	sfence.sel $0xFFFF  }
0xc0: {  	[dreg:$0x0] =	wrdreg $0xFFFFFFFF;
	(pc) =	sbr.abs _section_cstart, $3  }
0xc1: {  	[dreg:$0x1] =	wrdreg $0xFFFFFFFF  }
0xc2: {  	_ =	task.clear_ibuf [dreg:s7], $0x2FFFF;
	_ =	strace $0x9FFFFFFF  }
0xc3: {  	(tm) =	ssettm $0x7FFFFFFF  }
tec
execute0_lowered:
.L_overlay_start_1:
0x0: {  	(tag) =	ssettag $0x1  }
0x1: {  	s5 =	rddreg [dreg:$0x0]  }
0x2: {  	s8 =	rddreg [dreg:$0x1];
	s0 =	srdreg.scid  }
0x3: {  	s9 =	stileid.u32;
	s1 =	rddreg [dreg:$0x2]  }
0x4: {  	s2 =	simm.s32 $0x0;
	s13 =	simm.s32 $0x1;
	s14 =	simm.s32 $0x2  }
0x5: {  	s15 =	simm.s32 $0x1B810;
	s16 =	simm.s32 $0x3;
	s17 =	simm.s32 $0x1D110  }
0x6: {  	s18 =	simm.s32 $0x4;
	s4 =	sand.u32 $0x1, s0;
	s0 =	rddreg [dreg:$0x3]  }
0x7: {  	s19 =	simm.s32 $0x0;
	s3 =	sshll.u32 s9, $0x1;
	[smem:$0x7FF] =	sst s2  }
0x8: {  	p0 =	sne.s32 s9, $0x0;
	s10 =	sor.u32 s4, s3;
	_ =	strace $0x80000047  }
0x9: {  	s6 =	ssub.s32 $0x2, s4;
	s4 =	sadd.s32 $0x200, s5;
	s5 =	sadd.s32 $0x64200, s5  }
0xa: {  	v0 =	vlaneseq.u32;
	s3 =	smul.u32 $0x19000, s10;
	s7 =	sshrl.u32 s6, $0x1;
	s10 =	sshll.u32 s10, $0x6  }
0xb: {  	v0 =	vmul.u32 $0xC8, v0;
	s12 =	ssub.s32 s6, s7;
	s8 =	sadd.s32 s8, s10;
	s10 =	sshrl.u32 @!p0 s1, $0x3  }
0xc: {  	s11 =	sshrl.u32 s3, $0x3;
	s7 =	sadd.s32 $0x3200, s3;
	s9 =	smax.u32 s12, $0x1  }
0xd: {  	v1 =	vimm.s32 $0x0;
	v2 =	vadd.s32 $0xC80, v0;
	s12 =	simm.s32 $0x19F10;
	s6 =	sadd.s32 s4, s11;
	s11 =	simm.s32 $0x1870  }
.LBB2_1:
0xe: {  	s20 =	simm.s32 @!p0 $0x1C04  }
0xf: {  	[spmem:s10], [sflag:s20] =	dma.local @!p0 [hbm:s5], $0x30D4  }
0x10: {  	s20 =	simm.s32 @!p0 $0x4  }
0x11: {  	_ =	swait.ge @!p0 [sflag:s20], $0x30D4  }
0x12: {  	[sflag:s20] =	ssyncset.done @!p0 $0x0  }
0x13: {  	[sflag:s20] =	ssyncadd.s32 @!p0 $0xFFFFCF2C  }
0x14: {  	[bflag:$0x0] =	sbarrier.arrive $0xFFFF  }
0x15: {  	[tilespmem:s11], [sflag:$0x1] =	stream.linear.gather [spmem:s1], $0x186A0, $0x38;
	[tilespmem:$0x1D310] =	vst v63  }
0x16: {  	_ = 	snop  }
0x17: {  	[tilespmem:s12], [sflag:$0x2] =	stream.linear.gather [hbm4b:s6+s2], $0x1900, $0x38;
	[tilespmem:$0x1D310] =	vst v63  }
0x18: {  	_ =	swait.ge [sflag:s13], $0x186A0  }
0x19: {  	[sflag:s13] =	ssyncset.done $0x0  }
0x1a: {  	s21 =	simm.s32 $0x0;
	[sflag:s13] =	ssyncadd.s32 $0xFFFE7960  }
.LBB2_2:
0x1b: {  	s20 =	sshllo.u32 s21, $0x1  }
0x1c: {  	s22 =	smul.u32 $0x1900, s20;
	_ =	sdelay $0x1  }
0x1d: {  	_ =	swait.ge [sflag:s14], $0x1900;
	v3 =	vor.u32 $0x4, v0;
	s22 =	sadd.s32 s3, s22  }
0x1e: {  	v4 =	vor.u32 $0x5, v0;
	[sflag:s14] =	ssyncset.done $0x0;
	s22 =	sshrl.u32 s22, $0x3  }
0x1f: {  	v5 =	vor.u32 $0x1, v0;
	[sflag:s14] =	ssyncadd.s32 $0xFFFFE700;
	s22 =	sadd.s32 s4, s22  }
0x20: {  	v6 =	vor.u32 $0x2, v0;
	[tilespmem:s15], [sflag:$0x3] =	stream.linear.gather [hbm4b:s22+s2], $0x1900, $0x38;
	[tilespmem:$0x1D310] =	vst v63  }
0x21: {  	v7 =	vor.u32 $0x3, v0;
	v8 =	vld.idx.msk [tilespmem:v0+s12+$0x0], $0xffff  }
0x22: {  	v9 =	vor.u32 $0x6, v0;
	v11 =	vld.idx.msk [tilespmem:v3+s12+$0x0], $0xffff  }
0x23: {  	v10 =	vor.u32 $0x7, v0;
	v13 =	vld.idx.msk [tilespmem:v4+s12+$0x0], $0xffff  }
0x24: {  	v15 =	vld.idx.msk [tilespmem:v5+s12+$0x0], $0xffff  }
0x25: {  	v19 =	vld.idx.msk [tilespmem:v6+s12+$0x0], $0xffff  }
0x26: {  	v20 =	vld.idx.msk [tilespmem:v7+s12+$0x0], $0xffff  }
0x27: {  	v21 =	vld.idx.msk [tilespmem:v9+s12+$0x0], $0xffff  }
0x28: {  	v18 =	vld.idx.msk [tilespmem:v10+s12+$0x0], $0xffff  }
0x29: {  	v17 =	vld.idx.msk [tilespmem:v8+s11+$0x0], $0xffff  }
0x2a: {  	v12 =	vld.idx.msk [tilespmem:v11+s11+$0x0], $0xffff  }
0x2b: {  	v16 =	vimm.f32 $0.0e+00;
	v11 =	vimm.f32 $0.0e+00;
	v14 =	vld.idx.msk [tilespmem:v13+s11+$0x0], $0xffff  }
0x2c: {  	s22 =	simm.s32 $0x0;
	v8 =	vadd.s32 $0x8, v0;
	v22 =	vld.idx.msk [tilespmem:v15+s11+$0x0], $0xffff;
	v15 =	vimm.f32 $0.0e+00;
	v13 =	vimm.f32 $0.0e+00  }
.LBB2_3:
0x2d: {  	v23 =	vor.u32 $0x4, v8;
	v19 =	vld.idx.msk [tilespmem:v19+s11+$0x0], $0xffff  }
0x2e: {  	v24 =	vor.u32 $0x5, v8;
	v20 =	vld.idx.msk [tilespmem:v20+s11+$0x0], $0xffff  }
0x2f: {  	v25 =	vor.u32 $0x1, v8;
	v21 =	vld.idx.msk [tilespmem:v21+s11+$0x0], $0xffff  }
0x30: {  	v26 =	vor.u32 $0x2, v8;
	v18 =	vld.idx.msk [tilespmem:v18+s11+$0x0], $0xffff  }
0x31: {  	v28 =	vor.u32 $0x3, v8;
	s22 =	sadd.s32 $0x2, s22;
	v27 =	vld.idx.msk [tilespmem:v8+s12+$0x0], $0xffff  }
0x32: {  	v29 =	vor.u32 $0x6, v8;
	p1 =	slt.u32 s22, $0x30;
	v23 =	vld.idx.msk [tilespmem:v23+s12+$0x0], $0xffff  }
0x33: {  	v30 =	vor.u32 $0x7, v8;
	v11 =	vadd.f32 v17, v11;
	v16 =	vadd.f32 v22, v16;
	v24 =	vld.idx.msk [tilespmem:v24+s12+$0x0], $0xffff  }
0x34: {  	v15 =	vadd.f32 v19, v15;
	v13 =	vadd.f32 v20, v13;
	v22 =	vld.idx.msk [tilespmem:v25+s12+$0x0], $0xffff  }
0x35: {  	v11 =	vadd.f32 v12, v11;
	v16 =	vadd.f32 v14, v16;
	v19 =	vld.idx.msk [tilespmem:v26+s12+$0x0], $0xffff  }
0x36: {  	v15 =	vadd.f32 v21, v15;
	v13 =	vadd.f32 v18, v13;
	v20 =	vld.idx.msk [tilespmem:v28+s12+$0x0], $0xffff  }
0x37: {  	v21 =	vld.idx.msk [tilespmem:v29+s12+$0x0], $0xffff  }
.Ltmp0:
0x38: {  	v18 =	vld.idx.msk [tilespmem:v30+s12+$0x0], $0xffff;
	(pc) =	sbr.rel @p1 .LBB2_3-.Ltmp0, $4  }
0x39: {  	v17 =	vld.idx.msk [tilespmem:v27+s11+$0x0], $0xffff  }
0x3a: {  	v12 =	vld.idx.msk [tilespmem:v23+s11+$0x0], $0xffff  }
0x3b: {  	v14 =	vld.idx.msk [tilespmem:v24+s11+$0x0], $0xffff  }
0x3c: {  	v8 =	vadd.s32 $0x8, v8;
	v22 =	vld.idx.msk [tilespmem:v22+s11+$0x0], $0xffff  }
0x3d: {  	_ =	sdelay $0x3  }
0x3e: {  	v8 =	vld.idx.msk [tilespmem:v19+s11+$0x0], $0xffff  }
0x3f: {  	v19 =	vld.idx.msk [tilespmem:v20+s11+$0x0], $0xffff  }
0x40: {  	v20 =	vld.idx.msk [tilespmem:v21+s11+$0x0], $0xffff;
	v11 =	vadd.f32 v17, v11  }
0x41: {  	v16 =	vadd.f32 v22, v16  }
0x42: {  	v17 =	vld.idx.msk [tilespmem:v18+s11+$0x0], $0xffff;
	v11 =	vadd.f32 v12, v11  }
0x43: {  	v8 =	vadd.f32 v8, v15;
	v12 =	vadd.f32 v14, v16  }
0x44: {  	v13 =	vadd.f32 v19, v13  }
0x45: {  	v8 =	vadd.f32 v20, v8;
	v11 =	vadd.f32 v12, v11;
	_ =	sdelay $0x1  }
0x46: {  	v12 =	vadd.f32 v17, v13;
	v8 =	vadd.f32 v8, v11;
	_ =	sdelay $0x1  }
0x47: {  	v11 =	vadd.f32 v12, v8  }
0x48: {  	v8 =	vor.u32 $0x4, v2  }
0x49: {  	s22 =	sshll.u32 s21, $0x6;
	v12 =	vor.u32 $0x1, v2;
	vm0 =	vgt.f32 v11, $0.0e+00  }
0x4a: {  	s22 =	sand.u32 $0x3FFFFFC0, s22;
	v11 =	vor.u32 $0x5, v2;
	v13 =	vsel vm0, $0x1, v1  }
0x4b: {  	[tilespmem:s22+$0x1D110] =	vst v13;
	v13 =	vor.u32 $0x2, v2  }
0x4c: {  	v14 =	vor.u32 $0x3, v2;
	v17 =	vld.idx.msk [tilespmem:v2+s12+$0x0], $0xffff  }
0x4d: {  	v15 =	vor.u32 $0x6, v2;
	v18 =	vld.idx.msk [tilespmem:v8+s12+$0x0], $0xffff  }
0x4e: {  	v16 =	vor.u32 $0x7, v2;
	v22 =	vld.idx.msk [tilespmem:v12+s12+$0x0], $0xffff  }
0x4f: {  	v20 =	vld.idx.msk [tilespmem:v11+s12+$0x0], $0xffff  }
0x50: {  	v26 =	vld.idx.msk [tilespmem:v13+s12+$0x0], $0xffff  }
0x51: {  	v27 =	vld.idx.msk [tilespmem:v14+s12+$0x0], $0xffff  }
0x52: {  	v28 =	vld.idx.msk [tilespmem:v15+s12+$0x0], $0xffff  }
0x53: {  	v25 =	vld.idx.msk [tilespmem:v16+s12+$0x0], $0xffff  }
0x54: {  	v24 =	vld.idx.msk [tilespmem:v17+s11+$0x0], $0xffff  }
0x55: {  	v19 =	vld.idx.msk [tilespmem:v18+s11+$0x0], $0xffff  }
0x56: {  	v23 =	vimm.f32 $0.0e+00;
	v18 =	vimm.f32 $0.0e+00;
	v29 =	vld.idx.msk [tilespmem:v22+s11+$0x0], $0xffff  }
0x57: {  	s23 =	simm.s32 $0x0;
	v17 =	vadd.s32 $0x8, v2;
	v22 =	vimm.f32 $0.0e+00;
	v21 =	vld.idx.msk [tilespmem:v20+s11+$0x0], $0xffff;
	v20 =	vimm.f32 $0.0e+00  }
.LBB2_5:
0x58: {  	v30 =	vor.u32 $0x4, v17;
	v26 =	vld.idx.msk [tilespmem:v26+s11+$0x0], $0xffff  }
0x59: {  	v31 =	vor.u32 $0x5, v17;
	v27 =	vld.idx.msk [tilespmem:v27+s11+$0x0], $0xffff  }
0x5a: {  	v32 =	vor.u32 $0x1, v17;
	v28 =	vld.idx.msk [tilespmem:v28+s11+$0x0], $0xffff  }
0x5b: {  	v33 =	vor.u32 $0x2, v17;
	v25 =	vld.idx.msk [tilespmem:v25+s11+$0x0], $0xffff  }
0x5c: {  	v35 =	vor.u32 $0x3, v17;
	s23 =	sadd.s32 $0x2, s23;
	v34 =	vld.idx.msk [tilespmem:v17+s12+$0x0], $0xffff  }
0x5d: {  	v36 =	vor.u32 $0x6, v17;
	p1 =	slt.u32 s23, $0x30;
	v30 =	vld.idx.msk [tilespmem:v30+s12+$0x0], $0xffff  }
0x5e: {  	v37 =	vor.u32 $0x7, v17;
	v18 =	vadd.f32 v24, v18;
	v23 =	vadd.f32 v29, v23;
	v31 =	vld.idx.msk [tilespmem:v31+s12+$0x0], $0xffff  }
0x5f: {  	v22 =	vadd.f32 v26, v22;
	v20 =	vadd.f32 v27, v20;
	v29 =	vld.idx.msk [tilespmem:v32+s12+$0x0], $0xffff  }
0x60: {  	v18 =	vadd.f32 v19, v18;
	v23 =	vadd.f32 v21, v23;
	v26 =	vld.idx.msk [tilespmem:v33+s12+$0x0], $0xffff  }
0x61: {  	v22 =	vadd.f32 v28, v22;
	v20 =	vadd.f32 v25, v20;
	v27 =	vld.idx.msk [tilespmem:v35+s12+$0x0], $0xffff  }
0x62: {  	v28 =	vld.idx.msk [tilespmem:v36+s12+$0x0], $0xffff  }
.Ltmp1:
0x63: {  	v25 =	vld.idx.msk [tilespmem:v37+s12+$0x0], $0xffff;
	(pc) =	sbr.rel @p1 .LBB2_5-.Ltmp1, $4  }
0x64: {  	v24 =	vld.idx.msk [tilespmem:v34+s11+$0x0], $0xffff  }
0x65: {  	v19 =	vld.idx.msk [tilespmem:v30+s11+$0x0], $0xffff  }
0x66: {  	v21 =	vld.idx.msk [tilespmem:v31+s11+$0x0], $0xffff  }
0x67: {  	v17 =	vadd.s32 $0x8, v17;
	v29 =	vld.idx.msk [tilespmem:v29+s11+$0x0], $0xffff  }
0x68: {  	_ =	sdelay $0x3  }
0x69: {  	v17 =	vld.idx.msk [tilespmem:v26+s11+$0x0], $0xffff  }
0x6a: {  	v61 =	vld.idx.msk [tilespmem:v27+s11+$0x0], $0xffff  }
0x6b: {  	v62 =	vld.idx.msk [tilespmem:v28+s11+$0x0], $0xffff;
	v18 =	vadd.f32 v24, v18  }
0x6c: {  	v23 =	vadd.f32 v29, v23  }
0x6d: {  	v63 =	vld.idx.msk [tilespmem:v25+s11+$0x0], $0xffff;
	v18 =	vadd.f32 v19, v18  }
0x6e: {  	v17 =	vadd.f32 v17, v22;
	v19 =	vadd.f32 v21, v23  }
0x6f: {  	v20 =	vadd.f32 v61, v20  }
0x70: {  	v17 =	vadd.f32 v62, v17;
	v18 =	vadd.f32 v19, v18;
	_ =	sdelay $0x1  }
0x71: {  	v19 =	vadd.f32 v63, v20;
	v17 =	vadd.f32 v17, v18;
	_ =	sdelay $0x1  }
0x72: {  	v17 =	vadd.f32 v19, v17;
	_ =	sdelay $0x1  }
0x73: {  	vm0 =	vgt.f32 v17, $0.0e+00  }
0x74: {  	p1 =	seq.s32 s21, $0x7;
	v17 =	vsel vm0, $0x1, v1  }
0x75: {  	[tilespmem:s22+$0x1D120] =	vst v17;
	s22 =	smul.u32 @!p1 $0x3200, s21;
	_ =	sdelay $0x1  }
0x76: {  	_ =	swait.ge [sflag:s16], $0x1900;
	s22 =	sadd.s32 @!p1 s22, s7  }
0x77: {  	s23 =	simm.s32 @!p1 $0x0;
	[sflag:s16] =	ssyncset.done $0x0;
	s22 =	sshrl.u32 @!p1 s22, $0x3  }
0x78: {  	s24 =	simm.s32 @!p1 $0x19F10;
	[sflag:s16] =	ssyncadd.s32 $0xFFFFE700;
	s22 =	sadd.s32 @!p1 s4, s22  }
0x79: {  	[tilespmem:s24], [sflag:$0x2] =	stream.linear.gather @!p1 [hbm4b:s22+s23], $0x1900, $0x38;
	[tilespmem:$0x1D310] =	vst v63  }
0x7a: {  	v17 =	vld.idx.msk [tilespmem:v0+s15+$0x0], $0xffff  }
0x7b: {  	v3 =	vld.idx.msk [tilespmem:v3+s15+$0x0], $0xffff  }
0x7c: {  	v22 =	vld.idx.msk [tilespmem:v4+s15+$0x0], $0xffff  }
0x7d: {  	v23 =	vld.idx.msk [tilespmem:v5+s15+$0x0], $0xffff  }
0x7e: {  	v19 =	vld.idx.msk [tilespmem:v6+s15+$0x0], $0xffff  }
0x7f: {  	v20 =	vld.idx.msk [tilespmem:v7+s15+$0x0], $0xffff  }
0x80: {  	v21 =	vld.idx.msk [tilespmem:v9+s15+$0x0], $0xffff  }
0x81: {  	v18 =	vld.idx.msk [tilespmem:v10+s15+$0x0], $0xffff  }
0x82: {  	v17 =	vld.idx.msk [tilespmem:v17+s11+$0x0], $0xffff  }
0x83: {  	v5 =	vld.idx.msk [tilespmem:v3+s11+$0x0], $0xffff  }
0x84: {  	v4 =	vimm.f32 $0.0e+00;
	v10 =	vimm.f32 $0.0e+00;
	v7 =	vld.idx.msk [tilespmem:v22+s11+$0x0], $0xffff  }
0x85: {  	s21 =	sadd.s32 $0x1, s21;
	s22 =	simm.s32 $0x0;
	v9 =	vimm.f32 $0.0e+00;
	v6 =	vimm.f32 $0.0e+00;
	v3 =	vadd.s32 $0x8, v0;
	v22 =	vld.idx.msk [tilespmem:v23+s11+$0x0], $0xffff  }
.LBB2_7:
0x86: {  	v23 =	vor.u32 $0x4, v3;
	v19 =	vld.idx.msk [tilespmem:v19+s11+$0x0], $0xffff  }
0x87: {  	v24 =	vor.u32 $0x5, v3;
	v20 =	vld.idx.msk [tilespmem:v20+s11+$0x0], $0xffff  }
0x88: {  	v25 =	vor.u32 $0x1, v3;
	v21 =	vld.idx.msk [tilespmem:v21+s11+$0x0], $0xffff  }
0x89: {  	v26 =	vor.u32 $0x2, v3;
	v18 =	vld.idx.msk [tilespmem:v18+s11+$0x0], $0xffff  }
0x8a: {  	v28 =	vor.u32 $0x3, v3;
	s22 =	sadd.s32 $0x2, s22;
	v27 =	vld.idx.msk [tilespmem:v3+s15+$0x0], $0xffff  }
0x8b: {  	v29 =	vor.u32 $0x6, v3;
	p1 =	slt.u32 s22, $0x30;
	v23 =	vld.idx.msk [tilespmem:v23+s15+$0x0], $0xffff  }
0x8c: {  	v30 =	vor.u32 $0x7, v3;
	v4 =	vadd.f32 v17, v4;
	v10 =	vadd.f32 v22, v10;
	v24 =	vld.idx.msk [tilespmem:v24+s15+$0x0], $0xffff  }
0x8d: {  	v9 =	vadd.f32 v19, v9;
	v6 =	vadd.f32 v20, v6;
	v22 =	vld.idx.msk [tilespmem:v25+s15+$0x0], $0xffff  }
0x8e: {  	v4 =	vadd.f32 v5, v4;
	v10 =	vadd.f32 v7, v10;
	v19 =	vld.idx.msk [tilespmem:v26+s15+$0x0], $0xffff  }
0x8f: {  	v9 =	vadd.f32 v21, v9;
	v6 =	vadd.f32 v18, v6;
	v20 =	vld.idx.msk [tilespmem:v28+s15+$0x0], $0xffff  }
0x90: {  	v21 =	vld.idx.msk [tilespmem:v29+s15+$0x0], $0xffff  }
.Ltmp2:
0x91: {  	v18 =	vld.idx.msk [tilespmem:v30+s15+$0x0], $0xffff;
	(pc) =	sbr.rel @p1 .LBB2_7-.Ltmp2, $4  }
0x92: {  	v17 =	vld.idx.msk [tilespmem:v27+s11+$0x0], $0xffff  }
0x93: {  	v5 =	vld.idx.msk [tilespmem:v23+s11+$0x0], $0xffff  }
0x94: {  	v7 =	vld.idx.msk [tilespmem:v24+s11+$0x0], $0xffff  }
0x95: {  	v3 =	vadd.s32 $0x8, v3;
	v22 =	vld.idx.msk [tilespmem:v22+s11+$0x0], $0xffff  }
0x96: {  	_ =	sdelay $0x3  }
0x97: {  	v3 =	vld.idx.msk [tilespmem:v19+s11+$0x0], $0xffff  }
0x98: {  	v62 =	vld.idx.msk [tilespmem:v20+s11+$0x0], $0xffff  }
0x99: {  	v63 =	vld.idx.msk [tilespmem:v21+s11+$0x0], $0xffff;
	v4 =	vadd.f32 v17, v4  }
0x9a: {  	v10 =	vadd.f32 v22, v10  }
0x9b: {  	v17 =	vld.idx.msk [tilespmem:v18+s11+$0x0], $0xffff;
	v4 =	vadd.f32 v5, v4  }
0x9c: {  	v3 =	vadd.f32 v3, v9;
	v5 =	vadd.f32 v7, v10  }
0x9d: {  	v6 =	vadd.f32 v62, v6  }
0x9e: {  	v3 =	vadd.f32 v63, v3;
	v4 =	vadd.f32 v5, v4;
	_ =	sdelay $0x1  }
0x9f: {  	v5 =	vadd.f32 v17, v6;
	v3 =	vadd.f32 v3, v4;
	_ =	sdelay $0x1  }
0xa0: {  	v3 =	vadd.f32 v5, v3;
	_ =	sdelay $0x1  }
0xa1: {  	s20 =	sshll.u32 s20, $0x5;
	vm0 =	vgt.f32 v3, $0.0e+00  }
0xa2: {  	s20 =	sand.u32 $0x3FFFFFE0, s20;
	v3 =	vsel vm0, $0x1, v1  }
0xa3: {  	[tilespmem:s20+$0x1D110] =	vst v3  }
0xa4: {  	v3 =	vld.idx.msk [tilespmem:v2+s15+$0x0], $0xffff  }
0xa5: {  	v4 =	vld.idx.msk [tilespmem:v8+s15+$0x0], $0xffff  }
0xa6: {  	v6 =	vld.idx.msk [tilespmem:v11+s15+$0x0], $0xffff  }
0xa7: {  	v8 =	vld.idx.msk [tilespmem:v12+s15+$0x0], $0xffff  }
0xa8: {  	v12 =	vld.idx.msk [tilespmem:v13+s15+$0x0], $0xffff  }
0xa9: {  	v13 =	vld.idx.msk [tilespmem:v14+s15+$0x0], $0xffff  }
0xaa: {  	v14 =	vld.idx.msk [tilespmem:v15+s15+$0x0], $0xffff  }
0xab: {  	v11 =	vld.idx.msk [tilespmem:v16+s15+$0x0], $0xffff  }
0xac: {  	v10 =	vld.idx.msk [tilespmem:v3+s11+$0x0], $0xffff  }
0xad: {  	v5 =	vld.idx.msk [tilespmem:v4+s11+$0x0], $0xffff  }
0xae: {  	v9 =	vimm.f32 $0.0e+00;
	v4 =	vimm.f32 $0.0e+00;
	v7 =	vld.idx.msk [tilespmem:v6+s11+$0x0], $0xffff  }
0xaf: {  	s22 =	simm.s32 $0x0;
	v3 =	vadd.s32 $0x8, v2;
	v15 =	vld.idx.msk [tilespmem:v8+s11+$0x0], $0xffff;
	v8 =	vimm.f32 $0.0e+00;
	v6 =	vimm.f32 $0.0e+00  }
.LBB2_9:
0xb0: {  	v16 =	vor.u32 $0x4, v3;
	v12 =	vld.idx.msk [tilespmem:v12+s11+$0x0], $0xffff  }
0xb1: {  	v17 =	vor.u32 $0x5, v3;
	v13 =	vld.idx.msk [tilespmem:v13+s11+$0x0], $0xffff  }
0xb2: {  	v18 =	vor.u32 $0x1, v3;
	v14 =	vld.idx.msk [tilespmem:v14+s11+$0x0], $0xffff  }
0xb3: {  	v19 =	vor.u32 $0x2, v3;
	v11 =	vld.idx.msk [tilespmem:v11+s11+$0x0], $0xffff  }
0xb4: {  	v21 =	vor.u32 $0x3, v3;
	s22 =	sadd.s32 $0x2, s22;
	v20 =	vld.idx.msk [tilespmem:v3+s15+$0x0], $0xffff  }
0xb5: {  	v22 =	vor.u32 $0x6, v3;
	p1 =	slt.u32 s22, $0x30;
	v16 =	vld.idx.msk [tilespmem:v16+s15+$0x0], $0xffff  }
0xb6: {  	v23 =	vor.u32 $0x7, v3;
	v4 =	vadd.f32 v10, v4;
	v9 =	vadd.f32 v15, v9;
	v17 =	vld.idx.msk [tilespmem:v17+s15+$0x0], $0xffff  }
0xb7: {  	v8 =	vadd.f32 v12, v8;
	v6 =	vadd.f32 v13, v6;
	v15 =	vld.idx.msk [tilespmem:v18+s15+$0x0], $0xffff  }
0xb8: {  	v4 =	vadd.f32 v5, v4;
	v9 =	vadd.f32 v7, v9;
	v12 =	vld.idx.msk [tilespmem:v19+s15+$0x0], $0xffff  }
0xb9: {  	v8 =	vadd.f32 v14, v8;
	v6 =	vadd.f32 v11, v6;
	v13 =	vld.idx.msk [tilespmem:v21+s15+$0x0], $0xffff  }
0xba: {  	v14 =	vld.idx.msk [tilespmem:v22+s15+$0x0], $0xffff  }
.Ltmp3:
0xbb: {  	v11 =	vld.idx.msk [tilespmem:v23+s15+$0x0], $0xffff;
	(pc) =	sbr.rel @p1 .LBB2_9-.Ltmp3, $4  }
0xbc: {  	v10 =	vld.idx.msk [tilespmem:v20+s11+$0x0], $0xffff  }
0xbd: {  	v5 =	vld.idx.msk [tilespmem:v16+s11+$0x0], $0xffff  }
0xbe: {  	v7 =	vld.idx.msk [tilespmem:v17+s11+$0x0], $0xffff  }
0xbf: {  	v3 =	vadd.s32 $0x8, v3;
	v15 =	vld.idx.msk [tilespmem:v15+s11+$0x0], $0xffff  }
0xc0: {  	_ =	sdelay $0x3  }
0xc1: {  	v3 =	vld.idx.msk [tilespmem:v12+s11+$0x0], $0xffff  }
0xc2: {  	v59 =	vld.idx.msk [tilespmem:v13+s11+$0x0], $0xffff  }
0xc3: {  	v60 =	vld.idx.msk [tilespmem:v14+s11+$0x0], $0xffff;
	v4 =	vadd.f32 v10, v4  }
0xc4: {  	v9 =	vadd.f32 v15, v9  }
0xc5: {  	v61 =	vld.idx.msk [tilespmem:v11+s11+$0x0], $0xffff;
	v4 =	vadd.f32 v5, v4  }
0xc6: {  	v3 =	vadd.f32 v3, v8;
	v62 =	vadd.f32 v7, v9  }
0xc7: {  	v6 =	vadd.f32 v59, v6  }
0xc8: {  	v3 =	vadd.f32 v60, v3;
	v4 =	vadd.f32 v62, v4;
	_ =	sdelay $0x1  }
0xc9: {  	v63 =	vadd.f32 v61, v6;
	v3 =	vadd.f32 v3, v4  }
0xca: {  	p1 =	sne.s32 s21, $0x8  }
.Ltmp4:
0xcb: {  	v3 =	vadd.f32 v63, v3;
	(pc) =	sbr.rel @p1 .LBB2_2-.Ltmp4, $4  }
0xcc: {  	_ = 	snop  }
0xcd: {  	vm0 =	vgt.f32 v3, $0.0e+00  }
0xce: {  	v3 =	vsel vm0, $0x1, v1  }
0xcf: {  	[tilespmem:s20+$0x1D120] =	vst v3  }
0xd0: {  	s19 =	sadd.s32 $0x1, s19  }
0xd1: {  	p1 =	sne.s32 s19, s9  }
.Ltmp5:
0xd2: {  	_ = 	snop;
	(pc) =	sbr.rel @p1 .LBB2_1-.Ltmp5, $4  }
0xd3: {  	[hbm4b:s8+s2] =	stream.linear.scatter [tilespmem:s17], [sflag:$0x4], $0x200, $0x38;
	[tilespmem:$0x1D310] =	vst v63  }
0xd4: {  	_ =	swait.ge [sflag:s18], $0x200  }
0xd5: {  	[sflag:s18] =	ssyncset.done $0x0  }
0xd6: {  	[sflag:s18] =	ssyncadd.s32 $0xFFFFFE00  }
0xd7: {  	_ =	sfence.sel $0x180000  }
0xd8: {  	[bflag:$0x0] =	sbarrier.arrive $0xFFFF  }
0xd9: {  	_ =	strace $0x90000047  }
0xda: {  	s0 =	sadd.s32 @!p0 $0x100000, s0;
	[bflag:$0x2] =	sbarrier.arrive $0xFFFF  }
0xdb: {  	[sflag:s0] =	ssyncadd.tile.s32 @!p0 $0x1;
	_ =	shalt  }
.Lfunc_end2:
_tile_overlayer_lowered:
.L_overlay_start_2:
0xdc: {  	(tag) =	ssettag $0x2  }
0xdd: {  	s0 =	rddreg [dreg:$0x0];
	s2 =	stileid.u32  }
0xde: {  	s1 =	rddreg [dreg:$0x1];
	p0 =	sne.s32 s2, $0x0  }
0xdf: {  	s3 =	rddreg [dreg:$0x2];
	[bflag:$0x3] =	sbarrier.arrive $0xFFFF;
	s2 =	simm.s32 @!p0 $0x1C04  }
0xe0: {  	[timem:s3], [sflag:s2] =	dma.local @!p0 [hbm:s0], s1  }
0xe1: {  	s0 =	simm.s32 @!p0 $0x4  }
0xe2: {  	_ =	swait.ge @!p0 [sflag:s0], s1  }
0xe3: {  	s1 =	ssub.s32 @!p0 $0x0, s1;
	[sflag:s0] =	ssyncset.done @!p0 $0x0  }
0xe4: {  	[sflag:s0] =	ssyncadd.s32 @!p0 s1  }
0xe5: {  	[bflag:$0x3] =	sbarrier.arrive $0xFFFF  }
0xe6: {  	_ =	shalt  }

</sc_bundles>
